<compile_context>
chip_gen: v7x
topology: tpu7x:2x2x1
jax: 0.10.2.dev20260603
libtpu: 0.0.44.dev20260713+nightly
codegen_flags: <defaults>
</compile_context>

<pallas_src>
import dataclasses
import functools

import jax
import jax.numpy as jnp
from jax import lax
from jax.experimental import pallas as pl
from jax.experimental.pallas import tpu as pltpu
from jax.experimental.pallas import tpu_sc as plsc

_BLK = 2048
_NC = 2
_NS = 16
_LANES = 16


def _heads_block_kernel(h_ref, w_ref, b_ref, tab_ref):
    h_bf = h_ref[...].astype(jnp.bfloat16)
    y = jnp.dot(h_bf, w_ref[...], preferred_element_type=jnp.float32)
    y = y + b_ref[...]
    tab_ref[...] = y.reshape(2 * y.shape[0], 128)


def _all_env_table(h, w_flat, b_flat, n_env, a_dim):
    n, d = h.shape
    blk = _BLK
    grid = n // blk
    return pl.pallas_call(
        _heads_block_kernel,
        grid=(grid,),
        in_specs=[
            pl.BlockSpec((blk, d), lambda i: (i, 0)),
            pl.BlockSpec((d, n_env * a_dim), lambda i: (0, 0)),
            pl.BlockSpec((1, n_env * a_dim), lambda i: (0, 0)),
        ],
        out_specs=pl.BlockSpec((2 * blk, 128), lambda i: (i, 0)),
        out_shape=jax.ShapeDtypeStruct((2 * n, 128), jnp.float32),
        compiler_params=pltpu.CompilerParams(
            dimension_semantics=("arbitrary",),
        ),
    )(h, w_flat, b_flat)


def _sc_dispatch(table, row_idx, col_idx, n, a_dim):
    nw = _NC * _NS
    b_per_w = n // nw
    mesh = plsc.VectorSubcoreMesh(core_axis_name="c", subcore_axis_name="s")
    cp = pltpu.CompilerParams()
    if "needs_layout_passes" in pltpu.CompilerParams.__dataclass_fields__:
        cp = dataclasses.replace(cp, needs_layout_passes=False)

    @functools.partial(
        pl.kernel,
        mesh=mesh,
        compiler_params=cp,
        out_type=jax.ShapeDtypeStruct((n, a_dim), jnp.float32),
        scratch_types=[
            pltpu.VMEM((b_per_w,), jnp.int32),
            pltpu.VMEM((b_per_w, a_dim), jnp.int32),
            pltpu.VMEM((b_per_w, 128), jnp.float32),
            pltpu.VMEM((b_per_w, a_dim), jnp.float32),
            pltpu.SemaphoreType.DMA,
        ],
    )
    def dispatch_kernel(tab_hbm, ridx_hbm, cidx_hbm, out_hbm,
                        ridx_v, cidx_v, rows_v, out_v, sem):
        wid = lax.axis_index("s") * _NC + lax.axis_index("c")
        base = wid * b_per_w
        pltpu.sync_copy(ridx_hbm.at[pl.ds(base, b_per_w)], ridx_v)
        pltpu.sync_copy(cidx_hbm.at[pl.ds(base, b_per_w)], cidx_v)
        pltpu.async_copy(tab_hbm.at[ridx_v], rows_v, sem).wait()

        @pl.loop(0, b_per_w)
        def _(t):
            rows = jnp.full((_LANES,), t, jnp.int32)
            for j0 in range(0, a_dim, _LANES):
                cols = cidx_v[t, pl.ds(j0, _LANES)]
                out_v[t, pl.ds(j0, _LANES)] = plsc.load_gather(
                    rows_v, [rows, cols])

        pltpu.sync_copy(out_v, out_hbm.at[pl.ds(base, b_per_w)])

    return dispatch_kernel(table, row_idx, col_idx)


def kernel(h, env_ids, W, b):
    n, d = h.shape
    n_env, _, a_dim = W.shape

    w_flat = W.transpose(1, 0, 2).reshape(d, n_env * a_dim).astype(jnp.bfloat16)
    b_flat = b.reshape(1, n_env * a_dim)
    env = env_ids.reshape(-1).astype(jnp.int32)
    row_idx = jnp.arange(n, dtype=jnp.int32) * 2 + env // 4
    col_idx = (env % 4)[:, None] * a_dim + jnp.arange(a_dim, dtype=jnp.int32)

    table = _all_env_table(h, w_flat, b_flat, n_env, a_dim)
    return _sc_dispatch(table, row_idx, col_idx, n, a_dim)

# --- scband reference (transcript-rebuilt; emitter-appended) ---
"""Pipeline reference for scband-env-specific-head-57028575756791 (READ-ONLY COPY).

The authoritative reference and input builder live on the scoring server;
editing this copy changes nothing except your own understanding.
"""

import jax, jax.numpy as jnp
import numpy as np

NUM_ENVS = 8
N_TOK = 8192
D_MODEL = 1024
ACTION_DIM = 32


def setup_inputs(seed: int = 0) -> dict:
    key = jax.random.key(seed)
    k1, k2, k3, k4 = jax.random.split(key, 4)
    h = jax.random.normal(k1, (N_TOK, D_MODEL), dtype=jnp.float32)
    env_ids = jax.random.randint(k2, (N_TOK,), 0, NUM_ENVS, dtype=jnp.int64)
    # Per-env head params: head_hidden=[] -> single Linear(input_dim, action_dim) per env.
    # Stack all env heads into [E, D, A] weight and [E, A] bias tensors.
    W = jax.random.normal(k3, (NUM_ENVS, D_MODEL, ACTION_DIM), dtype=jnp.float32) * 0.02
    b = jax.random.normal(k4, (NUM_ENVS, ACTION_DIM), dtype=jnp.float32) * 0.02
    return {"h": h, "env_ids": env_ids, "W": W, "b": b}


def reference(h, env_ids, W, b):
    # Faithful translation of EnvSpecificHead.forward:
    #   outputs = zeros([B, action_dim])
    #   for env in unique(env_ids): outputs[env_ids == env] = head_env(h[env_ids == env])
    # In jax we unroll over the (static) set of envs and use masked select-writes,
    # which computes identical math: each token gets its own env's linear head.
    env = env_ids.reshape(-1).astype(jnp.int32)
    n_envs = W.shape[0]
    out = jnp.zeros((h.shape[0], W.shape[2]), dtype=h.dtype)
    for e in range(n_envs):
        y = h @ W[e] + b[e]
        mask = (env == e)[:, None]
        out = jnp.where(mask, y, out)
    return out

if __name__ == "__main__":
    import jax
    _d = setup_inputs()
    print(jax.jit(kernel)(*tuple(_d.values())))

</pallas_src>

<mosaic_0001>
#map = affine_map<(d0, d1) -> (0, 0)>
#map1 = affine_map<(d0, d1) -> (0)>
module attributes {stable_mosaic.version = 14 : i64} {
  func.func @dispatch_kernel(%arg0: i32, %arg1: i32, %arg2: memref<16384x128xf32, #tpu.memory_space<hbm>>, %arg3: memref<8192xi32, #tpu.memory_space<hbm>>, %arg4: memref<8192x32xi32, #tpu.memory_space<hbm>>, %arg5: memref<8192x32xf32, #tpu.memory_space<hbm>>, %arg6: memref<256xi32, #tpu.memory_space<vmem>>, %arg7: memref<256x32xi32, #tpu.memory_space<vmem>>, %arg8: memref<256x128xf32, #tpu.memory_space<vmem>>, %arg9: memref<256x32xf32, #tpu.memory_space<vmem>>, %arg10: memref<!tpu.dma_semaphore, #tpu.memory_space<semaphore_mem>>) attributes {dimension_semantics = [#tpu.dimension_semantics<core_parallel>, #tpu.dimension_semantics<subcore_parallel>], iteration_bounds = array<i64: 2, 16>, scalar_prefetch = 0 : i64, scratch_operands = 5 : i64, tpu.core_type = #tpu.core_type<sc_vector_subcore>, window_params = [{transform_indices = #map}, {transform_indices = #map1}, {transform_indices = #map}, {transform_indices = #map}]} {
    %mul3A = arith.constant 2 : i32
    %mul3A_0 = arith.muli %arg1, %mul3A : i32
    %add3A = arith.addi %mul3A_0, %arg0 : i32
    %mul3A_1 = arith.constant 256 : i32
    %mul3A_2 = arith.muli %add3A, %mul3A_1 : i32
    "tpu.region"() ({
      %run_scoped3A = tpu.sem_alloc : memref<!tpu.dma_semaphore, #tpu.memory_space<semaphore_mem>>
      %dma_start3A_11 = tpu.memref_slice %arg3[%mul3A_2] : memref<8192xi32, #tpu.memory_space<hbm>> -> memref<256xi32, #tpu.memory_space<hbm>>
      %dma_start3A_12 = tpu.memref_slice %arg3[%mul3A_2] : memref<8192xi32, #tpu.memory_space<hbm>> -> memref<256xi32, #tpu.memory_space<hbm>>
      tpu.enqueue_dma source(%dma_start3A_12 : memref<256xi32, #tpu.memory_space<hbm>>) target(%arg6 : memref<256xi32, #tpu.memory_space<vmem>>) target_semaphore(%run_scoped3A : memref<!tpu.dma_semaphore, #tpu.memory_space<semaphore_mem>>)
      %dma_wait3A_13 = tpu.memref_slice %arg3[%mul3A_2] : memref<8192xi32, #tpu.memory_space<hbm>> -> memref<256xi32, #tpu.memory_space<hbm>>
      %dma_wait3A_14 = tpu.memref_slice %arg3[%mul3A_2] : memref<8192xi32, #tpu.memory_space<hbm>> -> memref<256xi32, #tpu.memory_space<hbm>>
      tpu.wait_dma2 semaphore(%run_scoped3A : memref<!tpu.dma_semaphore, #tpu.memory_space<semaphore_mem>>) src(%dma_wait3A_14 : memref<256xi32, #tpu.memory_space<hbm>>) dst(%arg6 : memref<256xi32, #tpu.memory_space<vmem>>)
      tpu.yield
    }) : () -> ()
    "tpu.region"() ({
      %run_scoped3A = tpu.sem_alloc : memref<!tpu.dma_semaphore, #tpu.memory_space<semaphore_mem>>
      %dma_start3A_11 = arith.constant 0 : i32
      %dma_start3A_12 = tpu.memref_slice %arg4[%mul3A_2, %dma_start3A_11] : memref<8192x32xi32, #tpu.memory_space<hbm>> -> memref<256x32xi32, #tpu.memory_space<hbm>>
      %dma_start3A_13 = arith.constant 0 : i32
      %dma_start3A_14 = tpu.memref_slice %arg4[%mul3A_2, %dma_start3A_13] : memref<8192x32xi32, #tpu.memory_space<hbm>> -> memref<256x32xi32, #tpu.memory_space<hbm>>
      tpu.enqueue_dma source(%dma_start3A_14 : memref<256x32xi32, #tpu.memory_space<hbm>>) target(%arg7 : memref<256x32xi32, #tpu.memory_space<vmem>>) target_semaphore(%run_scoped3A : memref<!tpu.dma_semaphore, #tpu.memory_space<semaphore_mem>>)
      %dma_wait3A_15 = arith.constant 0 : i32
      %dma_wait3A_16 = tpu.memref_slice %arg4[%mul3A_2, %dma_wait3A_15] : memref<8192x32xi32, #tpu.memory_space<hbm>> -> memref<256x32xi32, #tpu.memory_space<hbm>>
      %dma_wait3A_17 = arith.constant 0 : i32
      %dma_wait3A_18 = tpu.memref_slice %arg4[%mul3A_2, %dma_wait3A_17] : memref<8192x32xi32, #tpu.memory_space<hbm>> -> memref<256x32xi32, #tpu.memory_space<hbm>>
      tpu.wait_dma2 semaphore(%run_scoped3A : memref<!tpu.dma_semaphore, #tpu.memory_space<semaphore_mem>>) src(%dma_wait3A_18 : memref<256x32xi32, #tpu.memory_space<hbm>>) dst(%arg7 : memref<256x32xi32, #tpu.memory_space<vmem>>)
      tpu.yield
    }) : () -> ()
    %dma_start3A = arith.constant 0 : i32
    %dma_start3A_3 = arith.constant 0 : i32
    %dma_start3A_4 = tpu.memref_slice %arg2[%dma_start3A, %dma_start3A_3] : memref<16384x128xf32, #tpu.memory_space<hbm>> -> memref<16384x128xf32, #tpu.memory_space<hbm>>
    tpu.enqueue_indirect_dma source(%dma_start3A_4 : memref<16384x128xf32, #tpu.memory_space<hbm>>) target(%arg8 : memref<256x128xf32, #tpu.memory_space<vmem>>) offsets(%arg6 : memref<256xi32, #tpu.memory_space<vmem>>) semaphore(%arg10 : memref<!tpu.dma_semaphore, #tpu.memory_space<semaphore_mem>>)
    %dma_wait3A = arith.constant 0 : i32
    %dma_wait3A_5 = arith.constant 0 : i32
    %dma_wait3A_6 = tpu.memref_slice %arg2[%dma_wait3A, %dma_wait3A_5] : memref<16384x128xf32, #tpu.memory_space<hbm>> -> memref<16384x128xf32, #tpu.memory_space<hbm>>
    tpu.wait_indirect_dma semaphore(%arg10 : memref<!tpu.dma_semaphore, #tpu.memory_space<semaphore_mem>>) src(%dma_wait3A_6 : memref<16384x128xf32, #tpu.memory_space<hbm>>) dst(%arg8 : memref<256x128xf32, #tpu.memory_space<vmem>>)
    %scan3A = arith.constant 0 : i32
    %scan3A_7 = arith.constant 256 : i32
    %scan3A_8 = arith.addi %scan3A, %scan3A_7 : i32
    %scan3A_9 = arith.constant 1 : i32
    scf.for %scan3A_11 = %scan3A to %scan3A_8 step %scan3A_9  : i32 {
      %mul3A_12 = arith.constant 1 : i32
      %mul3A_13 = arith.muli %scan3A_11, %mul3A_12 : i32
      %add3A_14 = arith.constant 0 : i32
      %add3A_15 = arith.addi %add3A_14, %mul3A_13 : i32
      %broadcast_in_dim3A = vector.broadcast %add3A_15 : i32 to vector<16xi32>
      %get3A = arith.index_cast %add3A_15 : i32 to index
      %get3A_16 = arith.constant 0 : index
      %get3A_17 = tpu.vector_load %arg7[%get3A, %get3A_16] {strides = array<i32>} : memref<256x32xi32, #tpu.memory_space<vmem>>, vector<16xi32>,
      %gather3A = tpu.vector_load_idx %arg8[%broadcast_in_dim3A, %get3A_17] : memref<256x128xf32, #tpu.memory_space<vmem>>[vector<16xi32>, vector<16xi32>], vector<16xf32>,
      %swap3A = arith.index_cast %add3A_15 : i32 to index
      %swap3A_18 = arith.constant 0 : index
      %swap3A_19 = tpu.vector_load %arg9[%swap3A, %swap3A_18] {strides = array<i32>} : memref<256x32xf32, #tpu.memory_space<vmem>>, vector<16xf32>,
      tpu.vector_store %arg9[%swap3A, %swap3A_18], %gather3A {strides = array<i32>} : memref<256x32xf32, #tpu.memory_space<vmem>>, vector<16xf32>,
      %get3A_20 = arith.index_cast %add3A_15 : i32 to index
      %get3A_21 = arith.constant 16 : index
      %get3A_22 = tpu.vector_load %arg7[%get3A_20, %get3A_21] {strides = array<i32>} : memref<256x32xi32, #tpu.memory_space<vmem>>, vector<16xi32>,
      %gather3A_23 = tpu.vector_load_idx %arg8[%broadcast_in_dim3A, %get3A_22] : memref<256x128xf32, #tpu.memory_space<vmem>>[vector<16xi32>, vector<16xi32>], vector<16xf32>,
      %swap3A_24 = arith.index_cast %add3A_15 : i32 to index
      %swap3A_25 = arith.constant 16 : index
      %swap3A_26 = tpu.vector_load %arg9[%swap3A_24, %swap3A_25] {strides = array<i32>} : memref<256x32xf32, #tpu.memory_space<vmem>>, vector<16xf32>,
      tpu.vector_store %arg9[%swap3A_24, %swap3A_25], %gather3A_23 {strides = array<i32>} : memref<256x32xf32, #tpu.memory_space<vmem>>, vector<16xf32>,
    }
    %scan3A_10 = arith.constant 256 : i32
    "tpu.region"() ({
      %run_scoped3A = tpu.sem_alloc : memref<!tpu.dma_semaphore, #tpu.memory_space<semaphore_mem>>
      %dma_start3A_11 = arith.constant 0 : i32
      %dma_start3A_12 = tpu.memref_slice %arg5[%mul3A_2, %dma_start3A_11] : memref<8192x32xf32, #tpu.memory_space<hbm>> -> memref<256x32xf32, #tpu.memory_space<hbm>>
      %dma_start3A_13 = arith.constant 0 : i32
      %dma_start3A_14 = tpu.memref_slice %arg5[%mul3A_2, %dma_start3A_13] : memref<8192x32xf32, #tpu.memory_space<hbm>> -> memref<256x32xf32, #tpu.memory_space<hbm>>
      tpu.enqueue_dma source(%arg9 : memref<256x32xf32, #tpu.memory_space<vmem>>) target(%dma_start3A_14 : memref<256x32xf32, #tpu.memory_space<hbm>>) target_semaphore(%run_scoped3A : memref<!tpu.dma_semaphore, #tpu.memory_space<semaphore_mem>>)
      %dma_wait3A_15 = arith.constant 0 : i32
      %dma_wait3A_16 = tpu.memref_slice %arg5[%mul3A_2, %dma_wait3A_15] : memref<8192x32xf32, #tpu.memory_space<hbm>> -> memref<256x32xf32, #tpu.memory_space<hbm>>
      %dma_wait3A_17 = arith.constant 0 : i32
      %dma_wait3A_18 = tpu.memref_slice %arg5[%mul3A_2, %dma_wait3A_17] : memref<8192x32xf32, #tpu.memory_space<hbm>> -> memref<256x32xf32, #tpu.memory_space<hbm>>
      tpu.wait_dma2 semaphore(%run_scoped3A : memref<!tpu.dma_semaphore, #tpu.memory_space<semaphore_mem>>) src(%arg9 : memref<256x32xf32, #tpu.memory_space<vmem>>) dst(%dma_wait3A_18 : memref<256x32xf32, #tpu.memory_space<hbm>>)
      tpu.yield
    }) : () -> ()
    return
  }
}

module attributes {stable_mosaic.version = 14 : i64} {
  func.func @_heads_block_kernel(%arg0: i32, %arg1: memref<2048x1024xf32, #tpu.memory_space<vmem>>, %arg2: memref<1024x256xbf16, #tpu.memory_space<vmem>>, %arg3: memref<1x256xf32, #tpu.memory_space<vmem>>, %arg4: memref<4096x128xf32, #tpu.memory_space<vmem>>) attributes {dimension_semantics = [#tpu.dimension_semantics<arbitrary>], iteration_bounds = array<i64: 4>, scalar_prefetch = 0 : i64, scratch_operands = 0 : i64, tpu.core_type = #tpu.core_type<tc>, window_params = [{transform_indices = @transform_0, window_bounds = array<i64: 2048, 1024>}, {pipeline_mode = #tpu.pipeline_mode<synchronous>, transform_indices = @transform_1, window_bounds = array<i64: 1024, 256>}, {pipeline_mode = #tpu.pipeline_mode<synchronous>, transform_indices = @transform_2, window_bounds = array<i64: 1, 256>}, {transform_indices = @transform_3, window_bounds = array<i64: 4096, 128>}]} {
    %get3A = arith.constant 0 : index
    %get3A_0 = arith.constant 0 : index
    %get3A_1 = vector.load %arg1[%get3A, %get3A_0] : memref<2048x1024xf32, #tpu.memory_space<vmem>>, vector<2048x1024xf32>
    %convert_element_type3A = arith.truncf %get3A_1 : vector<2048x1024xf32> to vector<2048x1024xbf16>
    %get3A_2 = arith.constant 0 : index
    %get3A_3 = arith.constant 0 : index
    %get3A_4 = vector.load %arg2[%get3A_2, %get3A_3] : memref<1024x256xbf16, #tpu.memory_space<vmem>>, vector<1024x256xbf16>
    %dot_general3A = arith.constant dense<0.000000e+00> : vector<2048x256xf32>
    %dot_general3A_5 = tpu.matmul %convert_element_type3A, %get3A_4, %dot_general3A {dimension_numbers = #tpu.dot_dimension_numbers<[1], [0], [0], [1], [0, 0, 1, 1], [], []>, transpose_lhs_hint = false} : vector<2048x1024xbf16>, vector<1024x256xbf16>, vector<2048x256xf32> -> vector<2048x256xf32>
    %get3A_6 = arith.constant 0 : index
    %get3A_7 = arith.constant 0 : index
    %get3A_8 = vector.load %arg3[%get3A_6, %get3A_7] : memref<1x256xf32, #tpu.memory_space<vmem>>, vector<1x256xf32>
    %add3A = vector.broadcast %get3A_8 : vector<1x256xf32> to vector<2048x256xf32>
    %add3A_9 = arith.addf %dot_general3A_5, %add3A : vector<2048x256xf32>
    %reshape3A = vector.shape_cast %add3A_9 : vector<2048x256xf32> to vector<4096x128xf32>
    %swap3A = arith.constant 0 : index
    %swap3A_10 = arith.constant 0 : index
    %swap3A_11 = vector.load %arg4[%swap3A, %swap3A_10] : memref<4096x128xf32, #tpu.memory_space<vmem>>, vector<4096x128xf32>
    tpu.vector_store %arg4[%swap3A, %swap3A_10], %reshape3A {strides = array<i32>} : memref<4096x128xf32, #tpu.memory_space<vmem>>, vector<4096x128xf32>,
    return
  }
  func.func @transform_0(%arg0: i32) -> (i32, i32) {
    %c0_i32 = arith.constant 0 : i32
    %c0_i32_0 = arith.constant 0 : i32
    return %arg0, %c0_i32 : i32, i32
  }
  func.func @transform_1(%arg0: i32) -> (i32, i32) {
    %c0_i32 = arith.constant 0 : i32
    %c0_i32_0 = arith.constant 0 : i32
    %c0_i32_1 = arith.constant 0 : i32
    return %c0_i32, %c0_i32_0 : i32, i32
  }
  func.func @transform_2(%arg0: i32) -> (i32, i32) {
    %c0_i32 = arith.constant 0 : i32
    %c0_i32_0 = arith.constant 0 : i32
    %c0_i32_1 = arith.constant 0 : i32
    return %c0_i32, %c0_i32_0 : i32, i32
  }
  func.func @transform_3(%arg0: i32) -> (i32, i32) {
    %c0_i32 = arith.constant 0 : i32
    %c0_i32_0 = arith.constant 0 : i32
    return %arg0, %c0_i32 : i32, i32
  }
}

</mosaic_0001>

<sc_bundles>
// kernel: kernel.4.cloned.1.call-start
scs
__scs_entry_jumppad:
0x0: {  	(pc) =	sbr.rel $0x88, $3  }
0x1: {  	(tag) =	ssettag $0x0;
	lr =	simm.s32 $0x1  }
0x2: {  	[smem:$0x3F9D] =	sst lr;
	_ =	strace $0xD0000000  }
0x3: {  	_ = 	snop  }
0x4: {  	_ = 	snop  }
0x5: {  	_ = 	snop  }
0x6: {  	_ = 	snop  }
0x7: {  	_ = 	snop  }
__scs_overlays_trampoline_lowered:
0x8: {  	[smem:$0x3FAC] =	sst s0  }
0x9: {  	[smem:$0x3FAD] =	sst s1  }
0xa: {  	[smem:$0x3FAE] =	sst s2  }
0xb: {  	[smem:$0x3FAF] =	sst s3  }
0xc: {  	[smem:$0x3FB0] =	sst s4  }
0xd: {  	[smem:$0x3FB1] =	sst s5  }
0xe: {  	[smem:$0x3FB2] =	sst s6  }
0xf: {  	[smem:$0x3FB3] =	sst s7  }
0x10: {  	[smem:$0x3FB4] =	sst s8  }
0x11: {  	[smem:$0x3FB5] =	sst s9;
	s0 =	simm.s32 @!p0 $0x0  }
0x12: {  	s1 =	sld [smem:$0x3F9B];
	s0 =	simm.s32 @p0 $0x1  }
0x13: {  	[smem:$0x3FB6] =	sst s0;
	s0 =	simm.s32 @!p1 $0x0  }
0x14: {  	s2 =	sld [smem:$0x3F9A];
	s0 =	simm.s32 @p1 $0x1  }
0x15: {  	[smem:$0x3FB7] =	sst s0;
	s0 =	simm.s32 @!p2 $0x0  }
0x16: {  	s3 =	sld [smem:$0x3FDB];
	s0 =	simm.s32 @p2 $0x1  }
0x17: {  	s4 =	simm.s32 $0x1BF5;
	[smem:$0x3FB9] =	sst s0  }
0x18: {  	s0 =	sld [smem:$0x3F9C];
	_ =	swait.ge [sflag:s4], $0x0  }
0x19: {  	s7 =	sld [smem:$0x3F9D]  }
0x1a: {  	s8 =	sadd.s32 $0xFFFFE003, lr  }
0x1b: {  	s9 =	sadd.s32 $0xFFFFFEF7, lr;
	s5 =	simm.s32 $0xFFFFFFFF;
	p2 =	slt.u32 s8, $0xFFFFF086  }
0x1c: {  	p1 =	slt.u32 s9, $0xF7A;
	s5 =	simm.s32 @!p2 $0x0  }
0x1d: {  	s5 =	simm.s32 @p1 $0x1;
	p0 =	seq.s32 s7, s2  }
0x1e: {  	s7 =	smul.u32 @!p0 $0xF7A, s2;
	p2 =	seq.s32 @!p0 s5, $0x0  }
0x1f: {  	s9 =	smul.u32 $0xF7A, s1;
	s8 =	simm.s32 @!p0 $0x1BF5;
	p2 =	por !p2, p0  }
0x20: {  	[sflag:s8] =	ssyncset.s32 @!p0 $0xFFFFF086;
	s6 =	sadd.s32 @!p0 s3, s7;
	s7 =	simm.s32 @!p0 $0x108  }
0x21: {  	s3 =	sadd.s32 s3, s9;
	s6 =	sadd.s32 @!p0 $0x88, s6;
	s7 =	simm.s32 @p2 $0x1082  }
0x22: {  	[simem:s7], [sflag:s8] =	dma.local @!p0 [hbm:s6], $0xF7A  }
0x23: {  	s9 =	sor.u32 $0xD0000000, s2;
	s6 =	simm.s32 $0x108;
	_ =	swait.ge @!p0 [sflag:s8], $0x0  }
0x24: {  	s3 =	sadd.s32 $0x88, s3;
	s6 =	simm.s32 @!p1 $0x1082;
	[sflag:s4] =	ssyncset.s32 $0xFFFFF086  }
0x25: {  	[simem:s6], [sflag:s4] =	dma.local [hbm:s3], $0xF7A  }
0x26: {  	[smem:$0x3F9D] =	sst s1;
	(tag) =	ssettag s2;
	_ =	strace s9  }
0x27: {  	s1 =	sld [smem:$0x3FAD]  }
0x28: {  	s2 =	sld [smem:$0x3FAE]  }
0x29: {  	s4 =	sld [smem:$0x3FB0]  }
0x2a: {  	p0 =	seq.s32 s5, $0x0;
	s5 =	sld [smem:$0x3FB1]  }
0x2b: {  	s6 =	sld [smem:$0x3FB2]  }
0x2c: {  	s7 =	sld [smem:$0x3FB3]  }
0x2d: {  	s3 =	simm.s32 $0x108;
	s8 =	sld [smem:$0x3FB4]  }
0x2e: {  	s3 =	simm.s32 @!p0 $0x1082;
	s9 =	sld [smem:$0x3FB5]  }
0x2f: {  	lr =	sadd.s32 s0, s3;
	s0 =	sld [smem:$0x3FAC]  }
0x30: {  	s3 =	sld [smem:$0x3FAF]  }
0x31: {  	[smem:$0x3FB8] =	sst s10  }
0x32: {  	s10 =	sld [smem:$0x3FB6];
	_ =	sdelay $0x3  }
0x33: {  	p0 =	seq.s32 s10, $0x1;
	s10 =	sld [smem:$0x3FB8];
	_ =	sdelay $0x3  }
0x34: {  	[smem:$0x3FB8] =	sst s10  }
0x35: {  	s10 =	sld [smem:$0x3FB7];
	_ =	sdelay $0x3  }
0x36: {  	p1 =	seq.s32 s10, $0x1;
	s10 =	sld [smem:$0x3FB8];
	_ =	sdelay $0x3  }
0x37: {  	[smem:$0x3FB8] =	sst s10  }
0x38: {  	s10 =	sld [smem:$0x3FB9]  }
0x39: {  	_ = 	snop;
	(pc) =	sbr.ind lr, $3  }
0x3a: {  	_ = 	snop  }
0x3b: {  	_ = 	snop  }
0x3c: {  	p2 =	seq.s32 s10, $0x1;
	s10 =	sld [smem:$0x3FB8]  }
0x3d: {  	_ =	shalt  }
0x3e: {  	_ =	shalt  }
0x3f: {  	_ =	shalt  }
0x40: {  	_ =	shalt  }
0x41: {  	_ =	shalt  }
0x42: {  	_ =	shalt  }
0x43: {  	_ =	shalt  }
0x44: {  	_ =	shalt  }
0x45: {  	_ =	shalt  }
0x46: {  	_ =	shalt  }
0x47: {  	_ =	shalt  }
0x48: {  	_ =	shalt  }
0x49: {  	_ =	shalt  }
0x4a: {  	_ =	shalt  }
0x4b: {  	_ =	shalt  }
0x4c: {  	_ =	shalt  }
0x4d: {  	_ =	shalt  }
0x4e: {  	_ =	shalt  }
0x4f: {  	_ =	shalt  }
0x50: {  	_ =	shalt  }
0x51: {  	_ =	shalt  }
0x52: {  	_ =	shalt  }
0x53: {  	_ =	shalt  }
0x54: {  	_ =	shalt  }
0x55: {  	_ =	shalt  }
0x56: {  	_ =	shalt  }
0x57: {  	_ =	shalt  }
0x58: {  	_ =	shalt  }
0x59: {  	_ =	shalt  }
0x5a: {  	_ =	shalt  }
0x5b: {  	_ =	shalt  }
0x5c: {  	_ =	shalt  }
0x5d: {  	_ =	shalt  }
0x5e: {  	_ =	shalt  }
0x5f: {  	_ =	shalt  }
0x60: {  	_ =	shalt  }
0x61: {  	_ =	shalt  }
0x62: {  	_ =	shalt  }
0x63: {  	_ =	shalt  }
0x64: {  	_ =	shalt  }
0x65: {  	_ =	shalt  }
0x66: {  	_ =	shalt  }
0x67: {  	_ =	shalt  }
0x68: {  	_ =	shalt  }
0x69: {  	_ =	shalt  }
0x6a: {  	_ =	shalt  }
0x6b: {  	_ =	shalt  }
0x6c: {  	_ =	shalt  }
0x6d: {  	_ =	shalt  }
0x6e: {  	_ =	shalt  }
0x6f: {  	_ =	shalt  }
0x70: {  	_ =	shalt  }
0x71: {  	_ =	shalt  }
0x72: {  	_ =	shalt  }
0x73: {  	_ =	shalt  }
0x74: {  	_ =	shalt  }
0x75: {  	_ =	shalt  }
0x76: {  	_ =	shalt  }
0x77: {  	_ =	shalt  }
0x78: {  	_ =	shalt  }
0x79: {  	_ =	shalt  }
0x7a: {  	_ =	shalt  }
0x7b: {  	_ =	shalt  }
0x7c: {  	_ =	shalt  }
0x7d: {  	_ =	shalt  }
0x7e: {  	_ =	shalt  }
0x7f: {  	_ =	shalt  }
0x80: {  	_ =	shalt  }
0x81: {  	_ =	shalt  }
0x82: {  	_ =	shalt  }
0x83: {  	_ =	shalt  }
0x84: {  	_ =	shalt  }
0x85: {  	_ =	shalt  }
0x86: {  	_ =	shalt  }
0x87: {  	_ =	shalt  }
.Lfunc_end0:
.L_simem_size_0:
called_computation_lowered:
.L_overlay_start_0:
0x88: {  	s2 =	sld [smem:$0x3FD9]  }
0x89: {  	s3 =	sld [smem:$0x3FFE];
	_ =	sdelay $0x1  }
0x8a: {  	s1 =	srdreg.scid  }
0x8b: {  	s0 =	sand.u32 $0x1, s1  }
0x8c: {  	s17 =	sshll.u32 s0, $0xA;
	s2 =	sadd.s32 s3, s2  }
0x8d: {  	s2 =	sadd.s32 s2, s17  }
0x8e: {  	[smem:$0x3FC4] =	sst s2  }
0x8f: {  	_ = 	snop  }
0x90: {  	s2 =	sld [smem:$0x3FD0];
	(tm) =	ssettm $0x1  }
0x91: {  	s18 =	sld [smem:$0x3FFB];
	_ =	sdelay $0x3  }
0x92: {  	_ =	strace s18  }
0x93: {  	s3 =	sld [smem:$0x3FFC];
	_ =	sdelay $0x3  }
0x94: {  	_ =	strace s3  }
0x95: {  	s3 =	sld [smem:$0x3FFD];
	_ =	sdelay $0x3  }
0x96: {  	_ =	strace s3  }
0x97: {  	_ =	strace $0x8FFFFFFF  }
0x98: {  	s19 =	sld [smem:$0x3FDB];
	_ =	sdelay $0x1  }
0x99: {  	s4 =	simm.s32 $_scs_section_size  }
0x9a: {  	s5 =	simm.s32 $_size__tile_overlayer_lowered;
	s6 =	simm.s32 $_tile_overlayer_lowered  }
0x9b: {  	s22 =	simm.s32 $0x1BFF;
	s21 =	sshll.u32 s6, $0x1;
	s3 =	sadd.s32 s4, s19  }
0x9c: {  	s7 =	simm.s32 $0x0;
	s20 =	sshll.u32 s5, $0x1;
	s5 =	sadd.s32 s21, s3  }
0x9d: {  	[timem:s7], [sflag:s22] =	dma.local [hbm:s5], s20  }
0x9e: {  	_ =	swait.ge [sflag:s22], s20  }
0x9f: {  	s4 =	ssub.s32 $0x0, s20;
	[sflag:s22] =	ssyncset.done $0x0  }
0xa0: {  	[sflag:s22] =	ssyncadd.s32 s4;
	_ =	sdelay $0x1  }
0xa1: {  	s23 =	simm.s32 $0x1B8B  }
0xa2: {  	_ =	swait.ge [sflag:s23], $0x1  }
0xa3: {  	[sflag:s23] =	ssyncset.done $0x0  }
0xa4: {  	s25 =	simm.s32 $0x1B8E;
	s24 =	sld [smem:$0x3FFE];
	[sflag:s23] =	ssyncadd.s32 $0xFFFFFFFF  }
0xa5: {  	s26 =	simm.s32 $execute0_lowered;
	[smem:$0x3FD2] =	sst s25  }
0xa6: {  	s5 =	sshll.u32 s26, $0x1;
	_ =	strace $0x80000046;
	[dreg:$0x1] =	wrdreg $0xFFFFFFFF  }
0xa7: {  	s28 =	simm.s32 $_size_execute0_lowered;
	s3 =	sadd.s32 s3, s5;
	[dreg:$0x0] =	wrdreg $0x0  }
0xa8: {  	s5 =	sshll.u32 s28, $0x1;
	[dreg:$0x2] =	wrdreg s3  }
0xa9: {  	[dreg:$0x3] =	wrdreg s5  }
0xaa: {  	[dreg:$0x4] =	wrdreg $0xC0  }
0xab: {  	_ =	task [dreg:s7], $0x5FFFF  }
0xac: {  	[dreg:$0x1] =	wrdreg $0xFFFFFFFF  }
0xad: {  	[dreg:$0x0] =	wrdreg $0x60  }
0xae: {  	[dreg:$0x2] =	wrdreg s24  }
0xaf: {  	[dreg:$0x3] =	wrdreg s2  }
0xb0: {  	[dreg:$0x4] =	wrdreg $0x9  }
0xb1: {  	_ =	task.clear_ibuf [dreg:s7], $0x5FFFF;
	_ =	strace $0x90000046  }
0xb2: {  	s29 =	simm.s32 $0x9;
	_ =	strace $0x80000048  }
0xb3: {  	_ =	swait.ge [sflag:s29], $0x1  }
0xb4: {  	[sflag:s29] =	ssyncadd.s32 $0xFFFFFFFF  }
0xb5: {  	_ =	strace $0x90000048  }
0xb6: {  	_ =	sfence  }
0xb7: {  	s30 =	sld [smem:$0x0];
	_ =	sdelay $0x2  }
0xb8: {  	s31 =	sshll.u32 s1, $0xD;
	s1 =	sshrl.u32 s1, $0x2  }
0xb9: {  	s3 =	sand.u32 $0x4000, s31;
	s1 =	sadd.s32 s1, s30  }
0xba: {  	s0 =	sor.u32 s3, s0;
	s1 =	sshll.u32 s1, $0x11  }
0xbb: {  	s0 =	sor.u32 s1, s0  }
0xbc: {  	s0 =	sadd.s32 $0x8F2B, s0  }
0xbd: {  	[sflag:s0] =	ssyncadd.remote.s32 $0x1  }
0xbe: {  	_ =	sfence.sel $0xFFFF  }
0xbf: {  	[dreg:$0x0] =	wrdreg $0xFFFFFFFF;
	(pc) =	sbr.abs _section_cstart, $3  }
0xc0: {  	[dreg:$0x1] =	wrdreg $0xFFFFFFFF  }
0xc1: {  	_ =	task.clear_ibuf [dreg:s7], $0x2FFFF;
	_ =	strace $0x9FFFFFFF  }
0xc2: {  	(tm) =	ssettm $0x7FFFFFFF  }
0xc3: {  	_ =	shalt  }
tec
execute0_lowered:
.L_overlay_start_1:
0x0: {  	(tag) =	ssettag $0x1  }
0x1: {  	s4 =	rddreg [dreg:$0x0]  }
0x2: {  	s5 =	rddreg [dreg:$0x1]  }
0x3: {  	s0 =	rddreg [dreg:$0x2];
	s2 =	simm.s32 $0x0;
	s3 =	srdreg.scid  }
0x4: {  	s1 =	stileid.u32;
	s10 =	simm.s32 $0x8100;
	s11 =	simm.s32 $0x1  }
0x5: {  	s12 =	simm.s32 $0x10100;
	s13 =	simm.s32 $0x0;
	s6 =	sand.u32 $0x1, s3  }
0x6: {  	[smem:$0x7FF] =	sst s2;
	s7 =	sshll.u32 s1, $0x9;
	s8 =	sshll.u32 s6, $0x8  }
0x7: {  	s3 =	sadd.s32 $0x20800, s4;
	s6 =	ssub.s32 $0x2, s6;
	s7 =	sor.u32 s8, s7  }
0x8: {  	_ =	strace $0x80000047;
	s9 =	sshrl.u32 s6, $0x1;
	s8 =	sshll.u32 s7, $0x4  }
0x9: {  	s7 =	sshrl.u32 s7, $0x3;
	s9 =	ssub.s32 s6, s9;
	s8 =	sadd.s32 s8, s4  }
0xa: {  	s4 =	sadd.s32 s5, s7;
	s7 =	smax.u32 s9, $0x1;
	s9 =	simm.s32 $0x100  }
0xb: {  	s5 =	sadd.s32 $0x800, s8;
	s6 =	sadd.s32 $0x60800, s8;
	s8 =	simm.s32 $0x2  }
.LBB2_1:
0xc: {  	[tilespmem:s2], [sflag:$0x2] =	stream.linear.gather [hbm4b:s4+s2], $0x100, $0x38;
	[tilespmem:$0x18100] =	vst v63  }
0xd: {  	_ =	swait.ge [sflag:s8], $0x100  }
0xe: {  	[sflag:s8] =	ssyncset.done $0x0  }
0xf: {  	[sflag:s8] =	ssyncadd.s32 $0xFFFFFF00  }
0x10: {  	[tilespmem:s9], [sflag:$0x2] =	stream.linear.gather [hbm4b:s5+s2], $0x8000, $0x38;
	[tilespmem:$0x18100] =	vst v63  }
0x11: {  	_ =	swait.ge [sflag:s8], $0x8000  }
0x12: {  	[sflag:s8] =	ssyncset.done $0x0  }
0x13: {  	[sflag:s8] =	ssyncadd.s32 $0xFFFF8000  }
0x14: {  	[tilespmem:s10], [sflag:$0x1] =	stream.indirect.gather [hbm4b:s3+s9], $0x80, s2, s9, $0xb8;
	[tilespmem:$0x18100] =	vst v63  }
0x15: {  	_ =	swait.ge [sflag:s11], $0x8000  }
0x16: {  	s14 =	simm.s32 $0x110;
	[sflag:s11] =	ssyncset.done $0x0  }
0x17: {  	s15 =	simm.s32 $0x10110;
	s16 =	simm.s32 $0x0;
	[sflag:s11] =	ssyncadd.s32 $0xFFFF8000  }
.LBB2_2:
0x18: {  	v0 =	vld [tilespmem:s14+$0xFFFFFFF0];
	_ =	sdelay $0x4  }
0x19: {  	s17 =	sshll.u32 s16, $0x7;
	v1 =	vand.u32 $0xFFFFFF80, v0  }
0x1a: {  	v0 =	vand.u32 $0x7F, v0;
	v1 =	vadd.s32 s17, v1  }
0x1b: {  	v0 =	vor.u32 v0, v1;
	_ =	sdelay $0x4  }
0x1c: {  	v0 =	vld.idx.msk [tilespmem:v0+s10+$0x0], $0xffff;
	_ =	sdelay $0x4  }
0x1d: {  	[tilespmem:s15+$0xFFFFFFF0] =	vst v0  }
0x1e: {  	v0 =	vld [tilespmem:s14+$0x0];
	_ =	sdelay $0x4  }
0x1f: {  	v63 =	vand.u32 $0xFFFFFF80, v0  }
0x20: {  	v0 =	vand.u32 $0x7F, v0;
	v1 =	vadd.s32 s17, v63  }
0x21: {  	v0 =	vor.u32 v0, v1;
	_ =	sdelay $0x4  }
0x22: {  	p0 =	sne.s32 s16, $0xFF;
	v0 =	vld.idx.msk [tilespmem:v0+s10+$0x0], $0xffff  }
.Ltmp0:
0x23: {  	_ = 	snop;
	(pc) =	sbr.rel @p0 .LBB2_2-.Ltmp0, $2  }
0x24: {  	_ =	sdelay $0x2  }
0x25: {  	s16 =	sadd.s32 $0x1, s16;
	s14 =	sadd.s32 $0x80, s14;
	[tilespmem:s15+$0x0] =	vst v0;
	s15 =	sadd.s32 $0x80, s15  }
0x26: {  	s13 =	sadd.s32 $0x1, s13  }
0x27: {  	p0 =	sne.s32 s13, s7  }
.Ltmp1:
0x28: {  	_ = 	snop;
	(pc) =	sbr.rel @p0 .LBB2_1-.Ltmp1, $4  }
0x29: {  	[hbm4b:s6+s2] =	stream.linear.scatter [tilespmem:s12], [sflag:$0x2], $0x8000, $0x38;
	[tilespmem:$0x18100] =	vst v63  }
0x2a: {  	_ =	swait.ge [sflag:s8], $0x8000  }
0x2b: {  	[sflag:s8] =	ssyncset.done $0x0  }
0x2c: {  	[sflag:s8] =	ssyncadd.s32 $0xFFFF8000  }
0x2d: {  	_ =	sfence.sel $0x180000  }
0x2e: {  	[bflag:$0x0] =	sbarrier.arrive $0xFFFF  }
0x2f: {  	p0 =	sne.s32 s1, $0x0;
	_ =	strace $0x90000047  }
0x30: {  	s0 =	sadd.s32 @!p0 $0x100000, s0;
	[bflag:$0x2] =	sbarrier.arrive $0xFFFF  }
0x31: {  	[sflag:s0] =	ssyncadd.tile.s32 @!p0 $0x1;
	_ =	shalt  }
.Lfunc_end2:
_tile_overlayer_lowered:
.L_overlay_start_2:
0x32: {  	(tag) =	ssettag $0x2  }
0x33: {  	s0 =	rddreg [dreg:$0x0];
	s2 =	stileid.u32  }
0x34: {  	s1 =	rddreg [dreg:$0x1];
	p0 =	sne.s32 s2, $0x0  }
0x35: {  	s3 =	rddreg [dreg:$0x2];
	[bflag:$0x3] =	sbarrier.arrive $0xFFFF;
	s2 =	simm.s32 @!p0 $0x1C02  }
0x36: {  	[timem:s3], [sflag:s2] =	dma.local @!p0 [hbm:s0], s1  }
0x37: {  	s0 =	simm.s32 @!p0 $0x2  }
0x38: {  	_ =	swait.ge @!p0 [sflag:s0], s1  }
0x39: {  	s1 =	ssub.s32 @!p0 $0x0, s1;
	[sflag:s0] =	ssyncset.done @!p0 $0x0  }
0x3a: {  	[sflag:s0] =	ssyncadd.s32 @!p0 s1  }
0x3b: {  	[bflag:$0x3] =	sbarrier.arrive $0xFFFF  }
0x3c: {  	_ =	shalt  }

</sc_bundles>
